<compile_context>
chip_gen: v7x
topology: tpu7x:2x2x1
jax: 0.10.2.dev20260603
libtpu: 0.0.44.dev20260713+nightly
codegen_flags: <defaults>
</compile_context>

<pallas_src>
import functools

import jax
import jax.numpy as jnp
from jax import lax
from jax.experimental import pallas as pl
from jax.experimental.pallas import tpu as pltpu
from jax.experimental.pallas import tpu_sc as plsc

NC = 2
NS = 16
NW = NC * NS
D = 1024
C = 32
NBUF = 3


@functools.lru_cache(maxsize=None)
def _make(B):
    bpw = B // NW
    nchunks = bpw // C
    mesh = plsc.VectorSubcoreMesh(core_axis_name="c", subcore_axis_name="s")

    @functools.partial(
        pl.kernel,
        mesh=mesh,
        out_type=jax.ShapeDtypeStruct((B, D), jnp.float32),
        scratch_types=[
            pltpu.VMEM((bpw,), jnp.int32),
            pltpu.VMEM((NBUF, C, D), jnp.float32),
            pltpu.SemaphoreType.DMA((NBUF,)),
            pltpu.SemaphoreType.DMA((NBUF,)),
        ],
    )
    def gather_kernel(table_hbm, idx_hbm, out_hbm, idx_v, rows_v, gsem, ssem):
        wid = lax.axis_index("s") * NC + lax.axis_index("c")
        base = wid * bpw
        pltpu.sync_copy(idx_hbm.at[pl.ds(base, bpw)], idx_v)

        def gather(i):
            return pltpu.make_async_copy(
                table_hbm.at[idx_v.at[pl.ds(i * C, C)]],
                rows_v.at[lax.rem(i, NBUF)],
                gsem.at[lax.rem(i, NBUF)],
            )

        def writeback(i):
            return pltpu.make_async_copy(
                rows_v.at[lax.rem(i, NBUF)],
                out_hbm.at[pl.ds(base + i * C, C)],
                ssem.at[lax.rem(i, NBUF)],
            )

        for j in range(NBUF - 1):
            gather(j).start()

        def chunk(i, carry):
            @pl.when(i + NBUF - 1 < nchunks)
            def _prefetch():
                @pl.when(i >= 1)
                def _():
                    writeback(i - 1).wait()

                gather(i + NBUF - 1).start()

            gather(i).wait()
            writeback(i).start()
            return carry

        lax.fori_loop(0, nchunks, chunk, 0, unroll=False)
        for j in range(NBUF):
            writeback(nchunks - NBUF + j).wait()

    return gather_kernel


def kernel(input_batch, table):
    shape = input_batch.shape
    idx = input_batch.reshape(-1).astype(jnp.int32)
    out = _make(idx.shape[0])(table, idx)
    return out.reshape(*shape, D)

# --- scband reference (transcript-rebuilt; emitter-appended) ---
"""Pipeline reference for scband-position-encoding-7026566496612 (READ-ONLY COPY).

The authoritative reference and input builder live on the scoring server;
editing this copy changes nothing except your own understanding.
"""

import jax, jax.numpy as jnp
import numpy as np

MAX_POSITIONS = 8192
HIDDEN_DIM = 1024


def _build_table(max_positions=MAX_POSITIONS, hidden_dim=HIDDEN_DIM):
    L = max_positions + 1
    pos = np.arange(L, dtype=np.float64)[:, None]
    j = np.arange(hidden_dim, dtype=np.float64)[None, :]
    w = pos / np.power(10000.0, 2.0 * (np.floor(j / 2.0)) / hidden_dim)
    w[1:, 0::2] = np.sin(w[1:, 0::2])
    w[1:, 1::2] = np.cos(w[1:, 1::2])
    w[0, :] = 0.0  # padding_idx row (pos == 0 -> zeros)
    return jnp.asarray(w, dtype=jnp.float32)


def setup_inputs(seed: int = 0) -> dict:
    key = jax.random.key(seed)
    input_batch = jax.random.randint(key, (4, 8192), 0, MAX_POSITIONS + 1, dtype=jnp.int64 if jax.config.jax_enable_x64 else jnp.int32)
    table = _build_table()
    return {"input_batch": input_batch, "table": table}


def reference(input_batch, table):
    # nn.Embedding lookup -> row gather from the (frozen) sinusoidal table
    return jnp.take(table, input_batch, axis=0)

if __name__ == "__main__":
    import jax
    _d = setup_inputs()
    print(jax.jit(kernel)(*tuple(_d.values())))

</pallas_src>

<mosaic_0001>
#map = affine_map<(d0, d1) -> (0, 0)>
#map1 = affine_map<(d0, d1) -> (0)>
module attributes {stable_mosaic.version = 14 : i64} {
  func.func @gather_kernel(%arg0: i32, %arg1: i32, %arg2: memref<8193x1024xf32, #tpu.memory_space<hbm>>, %arg3: memref<32768xi32, #tpu.memory_space<hbm>>, %arg4: memref<32768x1024xf32, #tpu.memory_space<hbm>>, %arg5: memref<1024xi32, #tpu.memory_space<vmem>>, %arg6: memref<3x32x1024xf32, #tpu.memory_space<vmem>>, %arg7: memref<3x!tpu.dma_semaphore, #tpu.memory_space<semaphore_mem>>, %arg8: memref<3x!tpu.dma_semaphore, #tpu.memory_space<semaphore_mem>>) attributes {dimension_semantics = [#tpu.dimension_semantics<core_parallel>, #tpu.dimension_semantics<subcore_parallel>], iteration_bounds = array<i64: 2, 16>, scalar_prefetch = 0 : i64, scratch_operands = 4 : i64, tpu.core_type = #tpu.core_type<sc_vector_subcore>, window_params = [{transform_indices = #map}, {transform_indices = #map1}, {transform_indices = #map}]} {
    %mul3A = arith.constant 2 : i32
    %mul3A_0 = arith.muli %arg1, %mul3A : i32
    %add3A = arith.addi %mul3A_0, %arg0 : i32
    %mul3A_1 = arith.constant 1024 : i32
    %mul3A_2 = arith.muli %add3A, %mul3A_1 : i32
    "tpu.region"() ({
      %run_scoped3A = tpu.sem_alloc : memref<!tpu.dma_semaphore, #tpu.memory_space<semaphore_mem>>
      %dma_start3A_105 = tpu.memref_slice %arg3[%mul3A_2] : memref<32768xi32, #tpu.memory_space<hbm>> -> memref<1024xi32, #tpu.memory_space<hbm>>
      %dma_start3A_106 = tpu.memref_slice %arg3[%mul3A_2] : memref<32768xi32, #tpu.memory_space<hbm>> -> memref<1024xi32, #tpu.memory_space<hbm>>
      tpu.enqueue_dma source(%dma_start3A_106 : memref<1024xi32, #tpu.memory_space<hbm>>) target(%arg5 : memref<1024xi32, #tpu.memory_space<vmem>>) target_semaphore(%run_scoped3A : memref<!tpu.dma_semaphore, #tpu.memory_space<semaphore_mem>>)
      %dma_wait3A_107 = tpu.memref_slice %arg3[%mul3A_2] : memref<32768xi32, #tpu.memory_space<hbm>> -> memref<1024xi32, #tpu.memory_space<hbm>>
      %dma_wait3A_108 = tpu.memref_slice %arg3[%mul3A_2] : memref<32768xi32, #tpu.memory_space<hbm>> -> memref<1024xi32, #tpu.memory_space<hbm>>
      tpu.wait_dma2 semaphore(%run_scoped3A : memref<!tpu.dma_semaphore, #tpu.memory_space<semaphore_mem>>) src(%dma_wait3A_108 : memref<1024xi32, #tpu.memory_space<hbm>>) dst(%arg5 : memref<1024xi32, #tpu.memory_space<vmem>>)
      tpu.yield
    }) : () -> ()
    %rem3A = arith.constant 0 : i32
    %rem3A_3 = arith.constant 3 : i32
    %rem3A_4 = arith.remsi %rem3A, %rem3A_3 : i32
    %rem3A_5 = arith.constant 0 : i32
    %rem3A_6 = arith.constant 3 : i32
    %rem3A_7 = arith.remsi %rem3A_5, %rem3A_6 : i32
    %dma_start3A = arith.constant 0 : i32
    %dma_start3A_8 = arith.constant 0 : i32
    %dma_start3A_9 = tpu.memref_slice %arg6[%rem3A_4, %dma_start3A, %dma_start3A_8] : memref<3x32x1024xf32, #tpu.memory_space<vmem>> -> memref<1x32x1024xf32, #tpu.memory_space<vmem>>
    %dma_start3A_10 = tpu.memref_squeeze %dma_start3A_9 : memref<1x32x1024xf32, #tpu.memory_space<vmem>> -> memref<32x1024xf32, #tpu.memory_space<vmem>>
    %dma_start3A_11 = arith.constant 0 : i32
    %dma_start3A_12 = tpu.memref_slice %arg5[%dma_start3A_11] : memref<1024xi32, #tpu.memory_space<vmem>> -> memref<32xi32, #tpu.memory_space<vmem>>
    %dma_start3A_13 = arith.constant 0 : i32
    %dma_start3A_14 = arith.constant 0 : i32
    %dma_start3A_15 = tpu.memref_slice %arg2[%dma_start3A_13, %dma_start3A_14] : memref<8193x1024xf32, #tpu.memory_space<hbm>> -> memref<8193x1024xf32, #tpu.memory_space<hbm>>
    %dma_start3A_16 = tpu.memref_slice %arg7[%rem3A_7] : memref<3x!tpu.dma_semaphore, #tpu.memory_space<semaphore_mem>> -> memref<1x!tpu.dma_semaphore, #tpu.memory_space<semaphore_mem>>
    %dma_start3A_17 = tpu.memref_squeeze %dma_start3A_16 : memref<1x!tpu.dma_semaphore, #tpu.memory_space<semaphore_mem>> -> memref<!tpu.dma_semaphore, #tpu.memory_space<semaphore_mem>>
    tpu.enqueue_indirect_dma source(%dma_start3A_15 : memref<8193x1024xf32, #tpu.memory_space<hbm>>) target(%dma_start3A_10 : memref<32x1024xf32, #tpu.memory_space<vmem>>) offsets(%dma_start3A_12 : memref<32xi32, #tpu.memory_space<vmem>>) semaphore(%dma_start3A_17 : memref<!tpu.dma_semaphore, #tpu.memory_space<semaphore_mem>>)
    %rem3A_18 = arith.constant 1 : i32
    %rem3A_19 = arith.constant 3 : i32
    %rem3A_20 = arith.remsi %rem3A_18, %rem3A_19 : i32
    %rem3A_21 = arith.constant 1 : i32
    %rem3A_22 = arith.constant 3 : i32
    %rem3A_23 = arith.remsi %rem3A_21, %rem3A_22 : i32
    %dma_start3A_24 = arith.constant 0 : i32
    %dma_start3A_25 = arith.constant 0 : i32
    %dma_start3A_26 = tpu.memref_slice %arg6[%rem3A_20, %dma_start3A_24, %dma_start3A_25] : memref<3x32x1024xf32, #tpu.memory_space<vmem>> -> memref<1x32x1024xf32, #tpu.memory_space<vmem>>
    %dma_start3A_27 = tpu.memref_squeeze %dma_start3A_26 : memref<1x32x1024xf32, #tpu.memory_space<vmem>> -> memref<32x1024xf32, #tpu.memory_space<vmem>>
    %dma_start3A_28 = arith.constant 32 : i32
    %dma_start3A_29 = tpu.memref_slice %arg5[%dma_start3A_28] : memref<1024xi32, #tpu.memory_space<vmem>> -> memref<32xi32, #tpu.memory_space<vmem>>
    %dma_start3A_30 = arith.constant 0 : i32
    %dma_start3A_31 = arith.constant 0 : i32
    %dma_start3A_32 = tpu.memref_slice %arg2[%dma_start3A_30, %dma_start3A_31] : memref<8193x1024xf32, #tpu.memory_space<hbm>> -> memref<8193x1024xf32, #tpu.memory_space<hbm>>
    %dma_start3A_33 = tpu.memref_slice %arg7[%rem3A_23] : memref<3x!tpu.dma_semaphore, #tpu.memory_space<semaphore_mem>> -> memref<1x!tpu.dma_semaphore, #tpu.memory_space<semaphore_mem>>
    %dma_start3A_34 = tpu.memref_squeeze %dma_start3A_33 : memref<1x!tpu.dma_semaphore, #tpu.memory_space<semaphore_mem>> -> memref<!tpu.dma_semaphore, #tpu.memory_space<semaphore_mem>>
    tpu.enqueue_indirect_dma source(%dma_start3A_32 : memref<8193x1024xf32, #tpu.memory_space<hbm>>) target(%dma_start3A_27 : memref<32x1024xf32, #tpu.memory_space<vmem>>) offsets(%dma_start3A_29 : memref<32xi32, #tpu.memory_space<vmem>>) semaphore(%dma_start3A_34 : memref<!tpu.dma_semaphore, #tpu.memory_space<semaphore_mem>>)
    %scan3A = arith.constant 0 : i32
    %scan3A_35 = arith.constant 0 : i32
    %scan3A_36 = arith.constant 32 : i32
    %scan3A_37 = arith.addi %scan3A_35, %scan3A_36 : i32
    %scan3A_38 = arith.constant 1 : i32
    scf.for %scan3A_105 = %scan3A_35 to %scan3A_37 step %scan3A_38  : i32 {
      %add3A_106 = arith.constant 3 : i32
      %add3A_107 = arith.addi %scan3A_105, %add3A_106 : i32
      %sub3A = arith.constant 1 : i32
      %sub3A_108 = arith.subi %add3A_107, %sub3A : i32
      %lt3A = arith.constant 32 : i32
      %lt3A_109 = arith.cmpi slt, %sub3A_108, %lt3A : i32
      %convert_element_type3A = arith.extui %lt3A_109 : i1 to i32
      %cond3A = arith.constant 0 : i32
      %cond3A_110 = arith.cmpi ne, %convert_element_type3A, %cond3A : i32
      scf.if %cond3A_110 {
        %ge3A = arith.constant 1 : i32
        %ge3A_148 = arith.cmpi sge, %scan3A_105, %ge3A : i32
        %convert_element_type3A_149 = arith.extui %ge3A_148 : i1 to i32
        %cond3A_150 = arith.constant 0 : i32
        %cond3A_151 = arith.cmpi ne, %convert_element_type3A_149, %cond3A_150 : i32
        scf.if %cond3A_151 {
          %sub3A_172 = arith.constant 1 : i32
          %sub3A_173 = arith.subi %scan3A_105, %sub3A_172 : i32
          %rem3A_174 = arith.constant 3 : i32
          %rem3A_175 = arith.remsi %sub3A_173, %rem3A_174 : i32
          %mul3A_176 = arith.constant 32 : i32
          %mul3A_177 = arith.muli %sub3A_173, %mul3A_176 : i32
          %add3A_178 = arith.addi %mul3A_2, %mul3A_177 : i32
          %rem3A_179 = arith.constant 3 : i32
          %rem3A_180 = arith.remsi %sub3A_173, %rem3A_179 : i32
          %dma_wait3A_181 = arith.constant 0 : i32
          %dma_wait3A_182 = arith.constant 0 : i32
          %dma_wait3A_183 = tpu.memref_slice %arg6[%rem3A_175, %dma_wait3A_181, %dma_wait3A_182] : memref<3x32x1024xf32, #tpu.memory_space<vmem>> -> memref<1x32x1024xf32, #tpu.memory_space<vmem>>
          %dma_wait3A_184 = tpu.memref_squeeze %dma_wait3A_183 : memref<1x32x1024xf32, #tpu.memory_space<vmem>> -> memref<32x1024xf32, #tpu.memory_space<vmem>>
          %dma_wait3A_185 = arith.constant 0 : i32
          %dma_wait3A_186 = tpu.memref_slice %arg4[%add3A_178, %dma_wait3A_185] : memref<32768x1024xf32, #tpu.memory_space<hbm>> -> memref<32x1024xf32, #tpu.memory_space<hbm>>
          %dma_wait3A_187 = tpu.memref_slice %arg8[%rem3A_180] : memref<3x!tpu.dma_semaphore, #tpu.memory_space<semaphore_mem>> -> memref<1x!tpu.dma_semaphore, #tpu.memory_space<semaphore_mem>>
          %dma_wait3A_188 = tpu.memref_squeeze %dma_wait3A_187 : memref<1x!tpu.dma_semaphore, #tpu.memory_space<semaphore_mem>> -> memref<!tpu.dma_semaphore, #tpu.memory_space<semaphore_mem>>
          %dma_wait3A_189 = arith.constant 0 : i32
          %dma_wait3A_190 = tpu.memref_slice %arg4[%add3A_178, %dma_wait3A_189] : memref<32768x1024xf32, #tpu.memory_space<hbm>> -> memref<32x1024xf32, #tpu.memory_space<hbm>>
          %dma_wait3A_191 = arith.constant 0 : i32
          %dma_wait3A_192 = arith.constant 0 : i32
          %dma_wait3A_193 = tpu.memref_slice %arg6[%rem3A_175, %dma_wait3A_191, %dma_wait3A_192] : memref<3x32x1024xf32, #tpu.memory_space<vmem>> -> memref<1x32x1024xf32, #tpu.memory_space<vmem>>
          %dma_wait3A_194 = tpu.memref_squeeze %dma_wait3A_193 : memref<1x32x1024xf32, #tpu.memory_space<vmem>> -> memref<32x1024xf32, #tpu.memory_space<vmem>>
          tpu.wait_dma2 semaphore(%dma_wait3A_188 : memref<!tpu.dma_semaphore, #tpu.memory_space<semaphore_mem>>) src(%dma_wait3A_194 : memref<32x1024xf32, #tpu.memory_space<vmem>>) dst(%dma_wait3A_190 : memref<32x1024xf32, #tpu.memory_space<hbm>>)
        } else {
        }
        %add3A_152 = arith.constant 3 : i32
        %add3A_153 = arith.addi %scan3A_105, %add3A_152 : i32
        %sub3A_154 = arith.constant 1 : i32
        %sub3A_155 = arith.subi %add3A_153, %sub3A_154 : i32
        %mul3A_156 = arith.constant 32 : i32
        %mul3A_157 = arith.muli %sub3A_155, %mul3A_156 : i32
        %rem3A_158 = arith.constant 3 : i32
        %rem3A_159 = arith.remsi %sub3A_155, %rem3A_158 : i32
        %rem3A_160 = arith.constant 3 : i32
        %rem3A_161 = arith.remsi %sub3A_155, %rem3A_160 : i32
        %dma_start3A_162 = arith.constant 0 : i32
        %dma_start3A_163 = arith.constant 0 : i32
        %dma_start3A_164 = tpu.memref_slice %arg6[%rem3A_159, %dma_start3A_162, %dma_start3A_163] : memref<3x32x1024xf32, #tpu.memory_space<vmem>> -> memref<1x32x1024xf32, #tpu.memory_space<vmem>>
        %dma_start3A_165 = tpu.memref_squeeze %dma_start3A_164 : memref<1x32x1024xf32, #tpu.memory_space<vmem>> -> memref<32x1024xf32, #tpu.memory_space<vmem>>
        %dma_start3A_166 = tpu.memref_slice %arg5[%mul3A_157] : memref<1024xi32, #tpu.memory_space<vmem>> -> memref<32xi32, #tpu.memory_space<vmem>>
        %dma_start3A_167 = arith.constant 0 : i32
        %dma_start3A_168 = arith.constant 0 : i32
        %dma_start3A_169 = tpu.memref_slice %arg2[%dma_start3A_167, %dma_start3A_168] : memref<8193x1024xf32, #tpu.memory_space<hbm>> -> memref<8193x1024xf32, #tpu.memory_space<hbm>>
        %dma_start3A_170 = tpu.memref_slice %arg7[%rem3A_161] : memref<3x!tpu.dma_semaphore, #tpu.memory_space<semaphore_mem>> -> memref<1x!tpu.dma_semaphore, #tpu.memory_space<semaphore_mem>>
        %dma_start3A_171 = tpu.memref_squeeze %dma_start3A_170 : memref<1x!tpu.dma_semaphore, #tpu.memory_space<semaphore_mem>> -> memref<!tpu.dma_semaphore, #tpu.memory_space<semaphore_mem>>
        tpu.enqueue_indirect_dma source(%dma_start3A_169 : memref<8193x1024xf32, #tpu.memory_space<hbm>>) target(%dma_start3A_165 : memref<32x1024xf32, #tpu.memory_space<vmem>>) offsets(%dma_start3A_166 : memref<32xi32, #tpu.memory_space<vmem>>) semaphore(%dma_start3A_171 : memref<!tpu.dma_semaphore, #tpu.memory_space<semaphore_mem>>)
      } else {
      }
      %mul3A_111 = arith.constant 32 : i32
      %mul3A_112 = arith.muli %scan3A_105, %mul3A_111 : i32
      %rem3A_113 = arith.constant 3 : i32
      %rem3A_114 = arith.remsi %scan3A_105, %rem3A_113 : i32
      %rem3A_115 = arith.constant 3 : i32
      %rem3A_116 = arith.remsi %scan3A_105, %rem3A_115 : i32
      %dma_wait3A_117 = arith.constant 0 : i32
      %dma_wait3A_118 = arith.constant 0 : i32
      %dma_wait3A_119 = tpu.memref_slice %arg6[%rem3A_114, %dma_wait3A_117, %dma_wait3A_118] : memref<3x32x1024xf32, #tpu.memory_space<vmem>> -> memref<1x32x1024xf32, #tpu.memory_space<vmem>>
      %dma_wait3A_120 = tpu.memref_squeeze %dma_wait3A_119 : memref<1x32x1024xf32, #tpu.memory_space<vmem>> -> memref<32x1024xf32, #tpu.memory_space<vmem>>
      %dma_wait3A_121 = tpu.memref_slice %arg5[%mul3A_112] : memref<1024xi32, #tpu.memory_space<vmem>> -> memref<32xi32, #tpu.memory_space<vmem>>
      %dma_wait3A_122 = arith.constant 0 : i32
      %dma_wait3A_123 = arith.constant 0 : i32
      %dma_wait3A_124 = tpu.memref_slice %arg2[%dma_wait3A_122, %dma_wait3A_123] : memref<8193x1024xf32, #tpu.memory_space<hbm>> -> memref<8193x1024xf32, #tpu.memory_space<hbm>>
      %dma_wait3A_125 = tpu.memref_slice %arg7[%rem3A_116] : memref<3x!tpu.dma_semaphore, #tpu.memory_space<semaphore_mem>> -> memref<1x!tpu.dma_semaphore, #tpu.memory_space<semaphore_mem>>
      %dma_wait3A_126 = tpu.memref_squeeze %dma_wait3A_125 : memref<1x!tpu.dma_semaphore, #tpu.memory_space<semaphore_mem>> -> memref<!tpu.dma_semaphore, #tpu.memory_space<semaphore_mem>>
      tpu.wait_indirect_dma semaphore(%dma_wait3A_126 : memref<!tpu.dma_semaphore, #tpu.memory_space<semaphore_mem>>) src(%dma_wait3A_124 : memref<8193x1024xf32, #tpu.memory_space<hbm>>) dst(%dma_wait3A_120 : memref<32x1024xf32, #tpu.memory_space<vmem>>)
      %rem3A_127 = arith.constant 3 : i32
      %rem3A_128 = arith.remsi %scan3A_105, %rem3A_127 : i32
      %mul3A_129 = arith.constant 32 : i32
      %mul3A_130 = arith.muli %scan3A_105, %mul3A_129 : i32
      %add3A_131 = arith.addi %mul3A_2, %mul3A_130 : i32
      %rem3A_132 = arith.constant 3 : i32
      %rem3A_133 = arith.remsi %scan3A_105, %rem3A_132 : i32
      %dma_start3A_134 = arith.constant 0 : i32
      %dma_start3A_135 = arith.constant 0 : i32
      %dma_start3A_136 = tpu.memref_slice %arg6[%rem3A_128, %dma_start3A_134, %dma_start3A_135] : memref<3x32x1024xf32, #tpu.memory_space<vmem>> -> memref<1x32x1024xf32, #tpu.memory_space<vmem>>
      %dma_start3A_137 = tpu.memref_squeeze %dma_start3A_136 : memref<1x32x1024xf32, #tpu.memory_space<vmem>> -> memref<32x1024xf32, #tpu.memory_space<vmem>>
      %dma_start3A_138 = arith.constant 0 : i32
      %dma_start3A_139 = tpu.memref_slice %arg4[%add3A_131, %dma_start3A_138] : memref<32768x1024xf32, #tpu.memory_space<hbm>> -> memref<32x1024xf32, #tpu.memory_space<hbm>>
      %dma_start3A_140 = tpu.memref_slice %arg8[%rem3A_133] : memref<3x!tpu.dma_semaphore, #tpu.memory_space<semaphore_mem>> -> memref<1x!tpu.dma_semaphore, #tpu.memory_space<semaphore_mem>>
      %dma_start3A_141 = tpu.memref_squeeze %dma_start3A_140 : memref<1x!tpu.dma_semaphore, #tpu.memory_space<semaphore_mem>> -> memref<!tpu.dma_semaphore, #tpu.memory_space<semaphore_mem>>
      %dma_start3A_142 = arith.constant 0 : i32
      %dma_start3A_143 = tpu.memref_slice %arg4[%add3A_131, %dma_start3A_142] : memref<32768x1024xf32, #tpu.memory_space<hbm>> -> memref<32x1024xf32, #tpu.memory_space<hbm>>
      %dma_start3A_144 = arith.constant 0 : i32
      %dma_start3A_145 = arith.constant 0 : i32
      %dma_start3A_146 = tpu.memref_slice %arg6[%rem3A_128, %dma_start3A_144, %dma_start3A_145] : memref<3x32x1024xf32, #tpu.memory_space<vmem>> -> memref<1x32x1024xf32, #tpu.memory_space<vmem>>
      %dma_start3A_147 = tpu.memref_squeeze %dma_start3A_146 : memref<1x32x1024xf32, #tpu.memory_space<vmem>> -> memref<32x1024xf32, #tpu.memory_space<vmem>>
      tpu.enqueue_dma source(%dma_start3A_147 : memref<32x1024xf32, #tpu.memory_space<vmem>>) target(%dma_start3A_143 : memref<32x1024xf32, #tpu.memory_space<hbm>>) target_semaphore(%dma_start3A_141 : memref<!tpu.dma_semaphore, #tpu.memory_space<semaphore_mem>>)
    }
    %scan3A_39 = arith.constant 32 : i32
    %rem3A_40 = arith.constant 29 : i32
    %rem3A_41 = arith.constant 3 : i32
    %rem3A_42 = arith.remsi %rem3A_40, %rem3A_41 : i32
    %add3A_43 = arith.constant 928 : i32
    %add3A_44 = arith.addi %mul3A_2, %add3A_43 : i32
    %rem3A_45 = arith.constant 29 : i32
    %rem3A_46 = arith.constant 3 : i32
    %rem3A_47 = arith.remsi %rem3A_45, %rem3A_46 : i32
    %dma_wait3A = arith.constant 0 : i32
    %dma_wait3A_48 = arith.constant 0 : i32
    %dma_wait3A_49 = tpu.memref_slice %arg6[%rem3A_42, %dma_wait3A, %dma_wait3A_48] : memref<3x32x1024xf32, #tpu.memory_space<vmem>> -> memref<1x32x1024xf32, #tpu.memory_space<vmem>>
    %dma_wait3A_50 = tpu.memref_squeeze %dma_wait3A_49 : memref<1x32x1024xf32, #tpu.memory_space<vmem>> -> memref<32x1024xf32, #tpu.memory_space<vmem>>
    %dma_wait3A_51 = arith.constant 0 : i32
    %dma_wait3A_52 = tpu.memref_slice %arg4[%add3A_44, %dma_wait3A_51] : memref<32768x1024xf32, #tpu.memory_space<hbm>> -> memref<32x1024xf32, #tpu.memory_space<hbm>>
    %dma_wait3A_53 = tpu.memref_slice %arg8[%rem3A_47] : memref<3x!tpu.dma_semaphore, #tpu.memory_space<semaphore_mem>> -> memref<1x!tpu.dma_semaphore, #tpu.memory_space<semaphore_mem>>
    %dma_wait3A_54 = tpu.memref_squeeze %dma_wait3A_53 : memref<1x!tpu.dma_semaphore, #tpu.memory_space<semaphore_mem>> -> memref<!tpu.dma_semaphore, #tpu.memory_space<semaphore_mem>>
    %dma_wait3A_55 = arith.constant 0 : i32
    %dma_wait3A_56 = tpu.memref_slice %arg4[%add3A_44, %dma_wait3A_55] : memref<32768x1024xf32, #tpu.memory_space<hbm>> -> memref<32x1024xf32, #tpu.memory_space<hbm>>
    %dma_wait3A_57 = arith.constant 0 : i32
    %dma_wait3A_58 = arith.constant 0 : i32
    %dma_wait3A_59 = tpu.memref_slice %arg6[%rem3A_42, %dma_wait3A_57, %dma_wait3A_58] : memref<3x32x1024xf32, #tpu.memory_space<vmem>> -> memref<1x32x1024xf32, #tpu.memory_space<vmem>>
    %dma_wait3A_60 = tpu.memref_squeeze %dma_wait3A_59 : memref<1x32x1024xf32, #tpu.memory_space<vmem>> -> memref<32x1024xf32, #tpu.memory_space<vmem>>
    tpu.wait_dma2 semaphore(%dma_wait3A_54 : memref<!tpu.dma_semaphore, #tpu.memory_space<semaphore_mem>>) src(%dma_wait3A_60 : memref<32x1024xf32, #tpu.memory_space<vmem>>) dst(%dma_wait3A_56 : memref<32x1024xf32, #tpu.memory_space<hbm>>)
    %rem3A_61 = arith.constant 30 : i32
    %rem3A_62 = arith.constant 3 : i32
    %rem3A_63 = arith.remsi %rem3A_61, %rem3A_62 : i32
    %add3A_64 = arith.constant 960 : i32
    %add3A_65 = arith.addi %mul3A_2, %add3A_64 : i32
    %rem3A_66 = arith.constant 30 : i32
    %rem3A_67 = arith.constant 3 : i32
    %rem3A_68 = arith.remsi %rem3A_66, %rem3A_67 : i32
    %dma_wait3A_69 = arith.constant 0 : i32
    %dma_wait3A_70 = arith.constant 0 : i32
    %dma_wait3A_71 = tpu.memref_slice %arg6[%rem3A_63, %dma_wait3A_69, %dma_wait3A_70] : memref<3x32x1024xf32, #tpu.memory_space<vmem>> -> memref<1x32x1024xf32, #tpu.memory_space<vmem>>
    %dma_wait3A_72 = tpu.memref_squeeze %dma_wait3A_71 : memref<1x32x1024xf32, #tpu.memory_space<vmem>> -> memref<32x1024xf32, #tpu.memory_space<vmem>>
    %dma_wait3A_73 = arith.constant 0 : i32
    %dma_wait3A_74 = tpu.memref_slice %arg4[%add3A_65, %dma_wait3A_73] : memref<32768x1024xf32, #tpu.memory_space<hbm>> -> memref<32x1024xf32, #tpu.memory_space<hbm>>
    %dma_wait3A_75 = tpu.memref_slice %arg8[%rem3A_68] : memref<3x!tpu.dma_semaphore, #tpu.memory_space<semaphore_mem>> -> memref<1x!tpu.dma_semaphore, #tpu.memory_space<semaphore_mem>>
    %dma_wait3A_76 = tpu.memref_squeeze %dma_wait3A_75 : memref<1x!tpu.dma_semaphore, #tpu.memory_space<semaphore_mem>> -> memref<!tpu.dma_semaphore, #tpu.memory_space<semaphore_mem>>
    %dma_wait3A_77 = arith.constant 0 : i32
    %dma_wait3A_78 = tpu.memref_slice %arg4[%add3A_65, %dma_wait3A_77] : memref<32768x1024xf32, #tpu.memory_space<hbm>> -> memref<32x1024xf32, #tpu.memory_space<hbm>>
    %dma_wait3A_79 = arith.constant 0 : i32
    %dma_wait3A_80 = arith.constant 0 : i32
    %dma_wait3A_81 = tpu.memref_slice %arg6[%rem3A_63, %dma_wait3A_79, %dma_wait3A_80] : memref<3x32x1024xf32, #tpu.memory_space<vmem>> -> memref<1x32x1024xf32, #tpu.memory_space<vmem>>
    %dma_wait3A_82 = tpu.memref_squeeze %dma_wait3A_81 : memref<1x32x1024xf32, #tpu.memory_space<vmem>> -> memref<32x1024xf32, #tpu.memory_space<vmem>>
    tpu.wait_dma2 semaphore(%dma_wait3A_76 : memref<!tpu.dma_semaphore, #tpu.memory_space<semaphore_mem>>) src(%dma_wait3A_82 : memref<32x1024xf32, #tpu.memory_space<vmem>>) dst(%dma_wait3A_78 : memref<32x1024xf32, #tpu.memory_space<hbm>>)
    %rem3A_83 = arith.constant 31 : i32
    %rem3A_84 = arith.constant 3 : i32
    %rem3A_85 = arith.remsi %rem3A_83, %rem3A_84 : i32
    %add3A_86 = arith.constant 992 : i32
    %add3A_87 = arith.addi %mul3A_2, %add3A_86 : i32
    %rem3A_88 = arith.constant 31 : i32
    %rem3A_89 = arith.constant 3 : i32
    %rem3A_90 = arith.remsi %rem3A_88, %rem3A_89 : i32
    %dma_wait3A_91 = arith.constant 0 : i32
    %dma_wait3A_92 = arith.constant 0 : i32
    %dma_wait3A_93 = tpu.memref_slice %arg6[%rem3A_85, %dma_wait3A_91, %dma_wait3A_92] : memref<3x32x1024xf32, #tpu.memory_space<vmem>> -> memref<1x32x1024xf32, #tpu.memory_space<vmem>>
    %dma_wait3A_94 = tpu.memref_squeeze %dma_wait3A_93 : memref<1x32x1024xf32, #tpu.memory_space<vmem>> -> memref<32x1024xf32, #tpu.memory_space<vmem>>
    %dma_wait3A_95 = arith.constant 0 : i32
    %dma_wait3A_96 = tpu.memref_slice %arg4[%add3A_87, %dma_wait3A_95] : memref<32768x1024xf32, #tpu.memory_space<hbm>> -> memref<32x1024xf32, #tpu.memory_space<hbm>>
    %dma_wait3A_97 = tpu.memref_slice %arg8[%rem3A_90] : memref<3x!tpu.dma_semaphore, #tpu.memory_space<semaphore_mem>> -> memref<1x!tpu.dma_semaphore, #tpu.memory_space<semaphore_mem>>
    %dma_wait3A_98 = tpu.memref_squeeze %dma_wait3A_97 : memref<1x!tpu.dma_semaphore, #tpu.memory_space<semaphore_mem>> -> memref<!tpu.dma_semaphore, #tpu.memory_space<semaphore_mem>>
    %dma_wait3A_99 = arith.constant 0 : i32
    %dma_wait3A_100 = tpu.memref_slice %arg4[%add3A_87, %dma_wait3A_99] : memref<32768x1024xf32, #tpu.memory_space<hbm>> -> memref<32x1024xf32, #tpu.memory_space<hbm>>
    %dma_wait3A_101 = arith.constant 0 : i32
    %dma_wait3A_102 = arith.constant 0 : i32
    %dma_wait3A_103 = tpu.memref_slice %arg6[%rem3A_85, %dma_wait3A_101, %dma_wait3A_102] : memref<3x32x1024xf32, #tpu.memory_space<vmem>> -> memref<1x32x1024xf32, #tpu.memory_space<vmem>>
    %dma_wait3A_104 = tpu.memref_squeeze %dma_wait3A_103 : memref<1x32x1024xf32, #tpu.memory_space<vmem>> -> memref<32x1024xf32, #tpu.memory_space<vmem>>
    tpu.wait_dma2 semaphore(%dma_wait3A_98 : memref<!tpu.dma_semaphore, #tpu.memory_space<semaphore_mem>>) src(%dma_wait3A_104 : memref<32x1024xf32, #tpu.memory_space<vmem>>) dst(%dma_wait3A_100 : memref<32x1024xf32, #tpu.memory_space<hbm>>)
    return
  }
}

</mosaic_0001>

<sc_bundles>
// kernel: kernel.3.cloned.1.call-start
scs
__scs_entry_jumppad:
0x0: {  	(pc) =	sbr.rel $0x88, $3  }
0x1: {  	(tag) =	ssettag $0x0;
	lr =	simm.s32 $0x1  }
0x2: {  	[smem:$0x3F9F] =	sst lr;
	_ =	strace $0xD0000000  }
0x3: {  	_ = 	snop  }
0x4: {  	_ = 	snop  }
0x5: {  	_ = 	snop  }
0x6: {  	_ = 	snop  }
0x7: {  	_ = 	snop  }
__scs_overlays_trampoline_lowered:
0x8: {  	[smem:$0x3FAE] =	sst s0  }
0x9: {  	[smem:$0x3FAF] =	sst s1  }
0xa: {  	[smem:$0x3FB0] =	sst s2  }
0xb: {  	[smem:$0x3FB1] =	sst s3  }
0xc: {  	[smem:$0x3FB2] =	sst s4  }
0xd: {  	[smem:$0x3FB3] =	sst s5  }
0xe: {  	[smem:$0x3FB4] =	sst s6  }
0xf: {  	[smem:$0x3FB5] =	sst s7  }
0x10: {  	[smem:$0x3FB6] =	sst s8  }
0x11: {  	[smem:$0x3FB7] =	sst s9;
	s0 =	simm.s32 @!p0 $0x0  }
0x12: {  	s1 =	sld [smem:$0x3F9D];
	s0 =	simm.s32 @p0 $0x1  }
0x13: {  	[smem:$0x3FB8] =	sst s0;
	s0 =	simm.s32 @!p1 $0x0  }
0x14: {  	s2 =	sld [smem:$0x3F9C];
	s0 =	simm.s32 @p1 $0x1  }
0x15: {  	[smem:$0x3FB9] =	sst s0;
	s0 =	simm.s32 @!p2 $0x0  }
0x16: {  	s3 =	sld [smem:$0x3FDB];
	s0 =	simm.s32 @p2 $0x1  }
0x17: {  	s4 =	simm.s32 $0x1BF5;
	[smem:$0x3FBB] =	sst s0  }
0x18: {  	s0 =	sld [smem:$0x3F9E];
	_ =	swait.ge [sflag:s4], $0x0  }
0x19: {  	s7 =	sld [smem:$0x3F9F]  }
0x1a: {  	s8 =	sadd.s32 $0xFFFFE003, lr  }
0x1b: {  	s9 =	sadd.s32 $0xFFFFFEF7, lr;
	s5 =	simm.s32 $0xFFFFFFFF;
	p2 =	slt.u32 s8, $0xFFFFF086  }
0x1c: {  	p1 =	slt.u32 s9, $0xF7A;
	s5 =	simm.s32 @!p2 $0x0  }
0x1d: {  	s5 =	simm.s32 @p1 $0x1;
	p0 =	seq.s32 s7, s2  }
0x1e: {  	s7 =	smul.u32 @!p0 $0xF7A, s2;
	p2 =	seq.s32 @!p0 s5, $0x0  }
0x1f: {  	s9 =	smul.u32 $0xF7A, s1;
	s8 =	simm.s32 @!p0 $0x1BF5;
	p2 =	por !p2, p0  }
0x20: {  	[sflag:s8] =	ssyncset.s32 @!p0 $0xFFFFF086;
	s6 =	sadd.s32 @!p0 s3, s7;
	s7 =	simm.s32 @!p0 $0x108  }
0x21: {  	s3 =	sadd.s32 s3, s9;
	s6 =	sadd.s32 @!p0 $0x88, s6;
	s7 =	simm.s32 @p2 $0x1082  }
0x22: {  	[simem:s7], [sflag:s8] =	dma.local @!p0 [hbm:s6], $0xF7A  }
0x23: {  	s9 =	sor.u32 $0xD0000000, s2;
	s6 =	simm.s32 $0x108;
	_ =	swait.ge @!p0 [sflag:s8], $0x0  }
0x24: {  	s3 =	sadd.s32 $0x88, s3;
	s6 =	simm.s32 @!p1 $0x1082;
	[sflag:s4] =	ssyncset.s32 $0xFFFFF086  }
0x25: {  	[simem:s6], [sflag:s4] =	dma.local [hbm:s3], $0xF7A  }
0x26: {  	[smem:$0x3F9F] =	sst s1;
	(tag) =	ssettag s2;
	_ =	strace s9  }
0x27: {  	s1 =	sld [smem:$0x3FAF]  }
0x28: {  	s2 =	sld [smem:$0x3FB0]  }
0x29: {  	s4 =	sld [smem:$0x3FB2]  }
0x2a: {  	p0 =	seq.s32 s5, $0x0;
	s5 =	sld [smem:$0x3FB3]  }
0x2b: {  	s6 =	sld [smem:$0x3FB4]  }
0x2c: {  	s7 =	sld [smem:$0x3FB5]  }
0x2d: {  	s3 =	simm.s32 $0x108;
	s8 =	sld [smem:$0x3FB6]  }
0x2e: {  	s3 =	simm.s32 @!p0 $0x1082;
	s9 =	sld [smem:$0x3FB7]  }
0x2f: {  	lr =	sadd.s32 s0, s3;
	s0 =	sld [smem:$0x3FAE]  }
0x30: {  	s3 =	sld [smem:$0x3FB1]  }
0x31: {  	[smem:$0x3FBA] =	sst s10  }
0x32: {  	s10 =	sld [smem:$0x3FB8];
	_ =	sdelay $0x3  }
0x33: {  	p0 =	seq.s32 s10, $0x1;
	s10 =	sld [smem:$0x3FBA];
	_ =	sdelay $0x3  }
0x34: {  	[smem:$0x3FBA] =	sst s10  }
0x35: {  	s10 =	sld [smem:$0x3FB9];
	_ =	sdelay $0x3  }
0x36: {  	p1 =	seq.s32 s10, $0x1;
	s10 =	sld [smem:$0x3FBA];
	_ =	sdelay $0x3  }
0x37: {  	[smem:$0x3FBA] =	sst s10  }
0x38: {  	s10 =	sld [smem:$0x3FBB]  }
0x39: {  	_ = 	snop;
	(pc) =	sbr.ind lr, $3  }
0x3a: {  	_ = 	snop  }
0x3b: {  	_ = 	snop  }
0x3c: {  	p2 =	seq.s32 s10, $0x1;
	s10 =	sld [smem:$0x3FBA]  }
0x3d: {  	_ =	shalt  }
0x3e: {  	_ =	shalt  }
0x3f: {  	_ =	shalt  }
0x40: {  	_ =	shalt  }
0x41: {  	_ =	shalt  }
0x42: {  	_ =	shalt  }
0x43: {  	_ =	shalt  }
0x44: {  	_ =	shalt  }
0x45: {  	_ =	shalt  }
0x46: {  	_ =	shalt  }
0x47: {  	_ =	shalt  }
0x48: {  	_ =	shalt  }
0x49: {  	_ =	shalt  }
0x4a: {  	_ =	shalt  }
0x4b: {  	_ =	shalt  }
0x4c: {  	_ =	shalt  }
0x4d: {  	_ =	shalt  }
0x4e: {  	_ =	shalt  }
0x4f: {  	_ =	shalt  }
0x50: {  	_ =	shalt  }
0x51: {  	_ =	shalt  }
0x52: {  	_ =	shalt  }
0x53: {  	_ =	shalt  }
0x54: {  	_ =	shalt  }
0x55: {  	_ =	shalt  }
0x56: {  	_ =	shalt  }
0x57: {  	_ =	shalt  }
0x58: {  	_ =	shalt  }
0x59: {  	_ =	shalt  }
0x5a: {  	_ =	shalt  }
0x5b: {  	_ =	shalt  }
0x5c: {  	_ =	shalt  }
0x5d: {  	_ =	shalt  }
0x5e: {  	_ =	shalt  }
0x5f: {  	_ =	shalt  }
0x60: {  	_ =	shalt  }
0x61: {  	_ =	shalt  }
0x62: {  	_ =	shalt  }
0x63: {  	_ =	shalt  }
0x64: {  	_ =	shalt  }
0x65: {  	_ =	shalt  }
0x66: {  	_ =	shalt  }
0x67: {  	_ =	shalt  }
0x68: {  	_ =	shalt  }
0x69: {  	_ =	shalt  }
0x6a: {  	_ =	shalt  }
0x6b: {  	_ =	shalt  }
0x6c: {  	_ =	shalt  }
0x6d: {  	_ =	shalt  }
0x6e: {  	_ =	shalt  }
0x6f: {  	_ =	shalt  }
0x70: {  	_ =	shalt  }
0x71: {  	_ =	shalt  }
0x72: {  	_ =	shalt  }
0x73: {  	_ =	shalt  }
0x74: {  	_ =	shalt  }
0x75: {  	_ =	shalt  }
0x76: {  	_ =	shalt  }
0x77: {  	_ =	shalt  }
0x78: {  	_ =	shalt  }
0x79: {  	_ =	shalt  }
0x7a: {  	_ =	shalt  }
0x7b: {  	_ =	shalt  }
0x7c: {  	_ =	shalt  }
0x7d: {  	_ =	shalt  }
0x7e: {  	_ =	shalt  }
0x7f: {  	_ =	shalt  }
0x80: {  	_ =	shalt  }
0x81: {  	_ =	shalt  }
0x82: {  	_ =	shalt  }
0x83: {  	_ =	shalt  }
0x84: {  	_ =	shalt  }
0x85: {  	_ =	shalt  }
0x86: {  	_ =	shalt  }
0x87: {  	_ =	shalt  }
.Lfunc_end0:
.L_simem_size_0:
called_computation_lowered:
.L_overlay_start_0:
0x88: {  	s2 =	sld [smem:$0x3FD9]  }
0x89: {  	s3 =	sld [smem:$0x3FFE];
	_ =	sdelay $0x1  }
0x8a: {  	s1 =	srdreg.scid  }
0x8b: {  	s0 =	sand.u32 $0x1, s1  }
0x8c: {  	s17 =	sshll.u32 s0, $0xA;
	s2 =	sadd.s32 s3, s2  }
0x8d: {  	s2 =	sadd.s32 s2, s17  }
0x8e: {  	[smem:$0x3FC6] =	sst s2  }
0x8f: {  	_ = 	snop  }
0x90: {  	s2 =	sld [smem:$0x3FC8]  }
0x91: {  	s18 =	sld [smem:$0x3FD0];
	(tm) =	ssettm $0x1  }
0x92: {  	s4 =	sld [smem:$0x3FFB];
	_ =	sdelay $0x3  }
0x93: {  	_ =	strace s4  }
0x94: {  	s4 =	sld [smem:$0x3FFC];
	_ =	sdelay $0x3  }
0x95: {  	_ =	strace s4  }
0x96: {  	s4 =	sld [smem:$0x3FFD];
	_ =	sdelay $0x3  }
0x97: {  	_ =	strace s4  }
0x98: {  	_ =	strace $0x8FFFFFFF  }
0x99: {  	s19 =	sld [smem:$0x3FDB];
	_ =	sdelay $0x1  }
0x9a: {  	s5 =	simm.s32 $_scs_section_size  }
0x9b: {  	s6 =	simm.s32 $_size__tile_overlayer_lowered;
	s7 =	simm.s32 $_tile_overlayer_lowered  }
0x9c: {  	s22 =	simm.s32 $0x1BFF;
	s21 =	sshll.u32 s7, $0x1;
	s4 =	sadd.s32 s5, s19  }
0x9d: {  	s8 =	simm.s32 $0x0;
	s20 =	sshll.u32 s6, $0x1;
	s6 =	sadd.s32 s21, s4  }
0x9e: {  	[timem:s8], [sflag:s22] =	dma.local [hbm:s6], s20  }
0x9f: {  	_ =	swait.ge [sflag:s22], s20  }
0xa0: {  	s5 =	ssub.s32 $0x0, s20;
	[sflag:s22] =	ssyncset.done $0x0  }
0xa1: {  	[sflag:s22] =	ssyncadd.s32 s5;
	_ =	sdelay $0x1  }
0xa2: {  	s23 =	simm.s32 $0x1B8B  }
0xa3: {  	_ =	swait.ge [sflag:s23], $0x1  }
0xa4: {  	[sflag:s23] =	ssyncset.done $0x0  }
0xa5: {  	s25 =	simm.s32 $0x1B8E;
	s24 =	sld [smem:$0x3FFE];
	[sflag:s23] =	ssyncadd.s32 $0xFFFFFFFF  }
0xa6: {  	s26 =	simm.s32 $execute0_lowered;
	[smem:$0x3FD2] =	sst s25  }
0xa7: {  	s6 =	sshll.u32 s26, $0x1;
	_ =	strace $0x80000046;
	[dreg:$0x1] =	wrdreg $0xFFFFFFFF  }
0xa8: {  	s28 =	simm.s32 $_size_execute0_lowered;
	s4 =	sadd.s32 s4, s6;
	[dreg:$0x0] =	wrdreg $0x0  }
0xa9: {  	s6 =	sshll.u32 s28, $0x1;
	[dreg:$0x2] =	wrdreg s4  }
0xaa: {  	[dreg:$0x3] =	wrdreg s6  }
0xab: {  	[dreg:$0x4] =	wrdreg $0xC0  }
0xac: {  	_ =	task [dreg:s8], $0x5FFFF  }
0xad: {  	[dreg:$0x1] =	wrdreg $0xFFFFFFFF  }
0xae: {  	[dreg:$0x0] =	wrdreg $0x60  }
0xaf: {  	[dreg:$0x2] =	wrdreg s2  }
0xb0: {  	[dreg:$0x3] =	wrdreg s24  }
0xb1: {  	[dreg:$0x4] =	wrdreg s18  }
0xb2: {  	[dreg:$0x5] =	wrdreg $0x9  }
0xb3: {  	_ =	task.clear_ibuf [dreg:s8], $0x6FFFF;
	_ =	strace $0x90000046  }
0xb4: {  	s29 =	simm.s32 $0x9;
	_ =	strace $0x80000048  }
0xb5: {  	_ =	swait.ge [sflag:s29], $0x1  }
0xb6: {  	[sflag:s29] =	ssyncadd.s32 $0xFFFFFFFF  }
0xb7: {  	_ =	strace $0x90000048  }
0xb8: {  	_ =	sfence  }
0xb9: {  	s30 =	sld [smem:$0x0];
	_ =	sdelay $0x2  }
0xba: {  	s31 =	sshll.u32 s1, $0xD;
	s1 =	sshrl.u32 s1, $0x2  }
0xbb: {  	s3 =	sand.u32 $0x4000, s31;
	s1 =	sadd.s32 s1, s30  }
0xbc: {  	s0 =	sor.u32 s3, s0;
	s1 =	sshll.u32 s1, $0x11  }
0xbd: {  	s0 =	sor.u32 s1, s0  }
0xbe: {  	s0 =	sadd.s32 $0x8F2B, s0  }
0xbf: {  	[sflag:s0] =	ssyncadd.remote.s32 $0x1  }
0xc0: {  	_ =	sfence.sel $0xFFFF  }
0xc1: {  	[dreg:$0x0] =	wrdreg $0xFFFFFFFF;
	(pc) =	sbr.abs _section_cstart, $3  }
0xc2: {  	[dreg:$0x1] =	wrdreg $0xFFFFFFFF  }
0xc3: {  	_ =	task.clear_ibuf [dreg:s8], $0x2FFFF;
	_ =	strace $0x9FFFFFFF  }
0xc4: {  	(tm) =	ssettm $0x7FFFFFFF  }
0xc5: {  	_ =	shalt  }
tec
execute0_lowered:
.L_overlay_start_1:
0x0: {  	(tag) =	ssettag $0x1  }
0x1: {  	s1 =	rddreg [dreg:$0x0]  }
0x2: {  	s0 =	srdreg.scid;
	s2 =	rddreg [dreg:$0x1]  }
0x3: {  	s7 =	stileid.u32;
	s8 =	rddreg [dreg:$0x2]  }
0x4: {  	s10 =	simm.s32 $0x7;
	s11 =	simm.s32 $0xB400;
	s12 =	simm.s32 $0xBC00  }
0x5: {  	s13 =	simm.s32 $0xC400;
	s14 =	simm.s32 $0xCC00;
	s15 =	simm.s32 $0xD400  }
0x6: {  	s16 =	simm.s32 $0xDC00;
	s17 =	simm.s32 $0xE400;
	s18 =	simm.s32 $0xEC00  }
0x7: {  	s19 =	simm.s32 $0xF400;
	s20 =	simm.s32 $0xFC00;
	s21 =	simm.s32 $0x6  }
0x8: {  	s22 =	simm.s32 $0x4;
	s23 =	simm.s32 $0x5;
	s24 =	simm.s32 $0x0  }
0x9: {  	s0 =	sand.u32 $0x1, s0;
	s3 =	sshll.u32 s7, $0xB;
	s6 =	sadd.s32 $0x200, s1  }
0xa: {  	s31 =	sshll.u32 s7, $0x12;
	s7 =	sadd.s32 $0x300, s1;
	s4 =	sshll.u32 s0, $0xA  }
0xb: {  	s5 =	ssub.s32 $0x2, s0;
	s0 =	sshll.u32 s0, $0x11;
	s4 =	sor.u32 s4, s3  }
.Ltmp0:
0xc: {  	s3 =	simm.s32 $0x0;
	s30 =	sshrl.u32 s5, $0x1;
	(pc) =	sbr.rel .LBB2_1-.Ltmp0, $4  }
0xd: {  	s4 =	sshrl.u32 s4, $0x3;
	[smem:$0x7FF] =	sst s3;
	s9 =	ssub.s32 s5, s30  }
0xe: {  	v2 =	vlaneseq.u32;
	s5 =	sadd.s32 $0x100, s1;
	s2 =	sadd.s32 s4, s2;
	_ =	strace $0x80000047  }
0xf: {  	vm0 =	vmmov $0xffff;
	v1 =	vshrl.u32 v2, $0x3;
	s4 =	sadd.s32 $0x400, s2;
	s2 =	sadd.s32 s31, s8;
	s8 =	smax.u32 s9, $0x1  }
0x10: {  	v0 =	vand.u32 $0x7, v2;
	v2 =	vor.u32 $0x8, v2;
	v1 =	vmul.u32 $0x8, v1;
	s26 =	sadd.s32 s0, s2;
	s2 =	simm.s32 $0xA400;
	s0 =	simm.s32 $0xAC00  }
.LBB2_5:
0x11: {  	_ =	swait.ge [sflag:s21], $0x8000  }
0x12: {  	[sflag:s21] =	ssyncset.done $0x0  }
0x13: {  	s24 =	sadd.s32 $0x1, s24;
	[sflag:s21] =	ssyncadd.s32 $0xFFFF8000  }
0x14: {  	p0 =	sne.s32 s24, s8;
	_ =	swait.ge [sflag:s22], $0x8000  }
.Ltmp1:
0x15: {  	[sflag:s22] =	ssyncset.done $0x0;
	(pc) =	sbr.rel @!p0 .LBB2_6-.Ltmp1, $4  }
0x16: {  	[sflag:s22] =	ssyncadd.s32 $0xFFFF8000  }
0x17: {  	_ =	swait.ge [sflag:s23], $0x8000  }
0x18: {  	[sflag:s23] =	ssyncset.done $0x0  }
0x19: {  	[sflag:s23] =	ssyncadd.s32 $0xFFFF8000  }
.LBB2_1:
0x1a: {  	[tilespmem:s3], [sflag:$0x7] =	stream.linear.gather [hbm4b:s4+s3], $0x400, $0x38;
	[tilespmem:$0x18400] =	vst v63  }
0x1b: {  	_ =	swait.ge [sflag:s10], $0x400  }
0x1c: {  	[sflag:s10] =	ssyncset.done $0x0  }
0x1d: {  	[sflag:s10] =	ssyncadd.s32 $0xFFFFFC00  }
0x1e: {  	v3 =	vld [tilespmem:$0x0];
	_ =	sdelay $0x4  }
0x1f: {  	v4 =	vshll.u32 v3, $0x3  }
0x20: {  	v3 =	vand.u32 $0x7, v3;
	v4 =	vand.u32 $0xFFFFFFC0, v4  }
0x21: {  	v3 =	vor.u32 v3, v4  }
0x22: {  	v4 =	vperm.xlane v3, v0;
	_ =	sdelay $0x1  }
0x23: {  	v4 =	vadd.s32 v1, v4;
	_ =	sdelay $0x3  }
0x24: {  	s9 =	simm.s32 $0x400  }
0x25: {  	[tilespmem:s9], [sflag:$0x1] =	stream.indirect_vreg.gather [hbm4b:s1+s3], $0x80, v4, vm0, $0xb8;
	[tilespmem:$0x18400] =	vst v63  }
0x26: {  	s29 =	simm.s32 $0xC00;
	v3 =	vperm.xlane v3, v2  }
0x27: {  	[tilespmem:s29], [sflag:$0x1] =	stream.indirect_vreg.gather [hbm4b:s5+s3], $0x80, v4, vm0, $0xb8;
	[tilespmem:$0x18400] =	vst v63  }
0x28: {  	s30 =	simm.s32 $0x1400;
	v3 =	vadd.s32 v1, v3  }
0x29: {  	[tilespmem:s30], [sflag:$0x1] =	stream.indirect_vreg.gather [hbm4b:s6+s3], $0x80, v4, vm0, $0xb8;
	[tilespmem:$0x18400] =	vst v63  }
0x2a: {  	s31 =	simm.s32 $0x1C00  }
0x2b: {  	[tilespmem:s31], [sflag:$0x1] =	stream.indirect_vreg.gather [hbm4b:s7+s3], $0x80, v4, vm0, $0xb8;
	[tilespmem:$0x18400] =	vst v63  }
0x2c: {  	s25 =	simm.s32 $0x2400  }
0x2d: {  	[tilespmem:s25], [sflag:$0x1] =	stream.indirect_vreg.gather [hbm4b:s1+s3], $0x80, v3, vm0, $0xb8;
	[tilespmem:$0x18400] =	vst v63  }
0x2e: {  	s29 =	simm.s32 $0x2C00  }
0x2f: {  	[tilespmem:s29], [sflag:$0x1] =	stream.indirect_vreg.gather [hbm4b:s5+s3], $0x80, v3, vm0, $0xb8;
	[tilespmem:$0x18400] =	vst v63  }
0x30: {  	s30 =	simm.s32 $0x3400  }
0x31: {  	[tilespmem:s30], [sflag:$0x1] =	stream.indirect_vreg.gather [hbm4b:s6+s3], $0x80, v3, vm0, $0xb8;
	[tilespmem:$0x18400] =	vst v63  }
0x32: {  	s31 =	simm.s32 $0x3C00  }
0x33: {  	[tilespmem:s31], [sflag:$0x1] =	stream.indirect_vreg.gather [hbm4b:s7+s3], $0x80, v3, vm0, $0xb8;
	[tilespmem:$0x18400] =	vst v63  }
0x34: {  	v3 =	vld [tilespmem:$0x10];
	_ =	sdelay $0x4  }
0x35: {  	v61 =	vshll.u32 v3, $0x3  }
0x36: {  	v3 =	vand.u32 $0x7, v3;
	v4 =	vand.u32 $0xFFFFFFC0, v61  }
0x37: {  	v3 =	vor.u32 v3, v4  }
0x38: {  	v4 =	vperm.xlane v3, v0;
	_ =	sdelay $0x1  }
0x39: {  	v4 =	vadd.s32 v1, v4;
	_ =	sdelay $0x3  }
0x3a: {  	s25 =	simm.s32 $0x4400  }
0x3b: {  	[tilespmem:s25], [sflag:$0x1] =	stream.indirect_vreg.gather [hbm4b:s1+s3], $0x80, v4, vm0, $0xb8;
	[tilespmem:$0x18400] =	vst v63  }
0x3c: {  	s29 =	simm.s32 $0x4C00;
	v3 =	vperm.xlane v3, v2  }
0x3d: {  	[tilespmem:s29], [sflag:$0x1] =	stream.indirect_vreg.gather [hbm4b:s5+s3], $0x80, v4, vm0, $0xb8;
	[tilespmem:$0x18400] =	vst v63  }
0x3e: {  	s30 =	simm.s32 $0x5400;
	v3 =	vadd.s32 v1, v3  }
0x3f: {  	[tilespmem:s30], [sflag:$0x1] =	stream.indirect_vreg.gather [hbm4b:s6+s3], $0x80, v4, vm0, $0xb8;
	[tilespmem:$0x18400] =	vst v63  }
0x40: {  	s31 =	simm.s32 $0x5C00  }
0x41: {  	[tilespmem:s31], [sflag:$0x1] =	stream.indirect_vreg.gather [hbm4b:s7+s3], $0x80, v4, vm0, $0xb8;
	[tilespmem:$0x18400] =	vst v63  }
0x42: {  	s25 =	simm.s32 $0x6400  }
0x43: {  	[tilespmem:s25], [sflag:$0x1] =	stream.indirect_vreg.gather [hbm4b:s1+s3], $0x80, v3, vm0, $0xb8;
	[tilespmem:$0x18400] =	vst v63  }
0x44: {  	s29 =	simm.s32 $0x6C00  }
0x45: {  	[tilespmem:s29], [sflag:$0x1] =	stream.indirect_vreg.gather [hbm4b:s5+s3], $0x80, v3, vm0, $0xb8;
	[tilespmem:$0x18400] =	vst v63  }
0x46: {  	s30 =	simm.s32 $0x7400  }
0x47: {  	[tilespmem:s30], [sflag:$0x1] =	stream.indirect_vreg.gather [hbm4b:s6+s3], $0x80, v3, vm0, $0xb8;
	[tilespmem:$0x18400] =	vst v63  }
0x48: {  	s31 =	simm.s32 $0x7C00  }
0x49: {  	[tilespmem:s31], [sflag:$0x1] =	stream.indirect_vreg.gather [hbm4b:s7+s3], $0x80, v3, vm0, $0xb8;
	[tilespmem:$0x18400] =	vst v63  }
0x4a: {  	v3 =	vld [tilespmem:$0x20];
	_ =	sdelay $0x4  }
0x4b: {  	v62 =	vshll.u32 v3, $0x3  }
0x4c: {  	v3 =	vand.u32 $0x7, v3;
	v4 =	vand.u32 $0xFFFFFFC0, v62  }
0x4d: {  	v3 =	vor.u32 v3, v4  }
0x4e: {  	v4 =	vperm.xlane v3, v0;
	_ =	sdelay $0x1  }
0x4f: {  	v4 =	vadd.s32 v1, v4;
	_ =	sdelay $0x3  }
0x50: {  	s25 =	simm.s32 $0x8400  }
0x51: {  	[tilespmem:s25], [sflag:$0x2] =	stream.indirect_vreg.gather [hbm4b:s1+s3], $0x80, v4, vm0, $0xb8;
	[tilespmem:$0x18400] =	vst v63  }
0x52: {  	s29 =	simm.s32 $0x8C00;
	v3 =	vperm.xlane v3, v2  }
0x53: {  	[tilespmem:s29], [sflag:$0x2] =	stream.indirect_vreg.gather [hbm4b:s5+s3], $0x80, v4, vm0, $0xb8;
	[tilespmem:$0x18400] =	vst v63  }
0x54: {  	s30 =	simm.s32 $0x9400;
	v3 =	vadd.s32 v1, v3  }
0x55: {  	[tilespmem:s30], [sflag:$0x2] =	stream.indirect_vreg.gather [hbm4b:s6+s3], $0x80, v4, vm0, $0xb8;
	[tilespmem:$0x18400] =	vst v63  }
0x56: {  	s31 =	simm.s32 $0x9C00  }
0x57: {  	[tilespmem:s31], [sflag:$0x2] =	stream.indirect_vreg.gather [hbm4b:s7+s3], $0x80, v4, vm0, $0xb8;
	[tilespmem:$0x18400] =	vst v63  }
0x58: {  	_ = 	snop  }
0x59: {  	[tilespmem:s2], [sflag:$0x2] =	stream.indirect_vreg.gather [hbm4b:s1+s3], $0x80, v3, vm0, $0xb8;
	[tilespmem:$0x18400] =	vst v63  }
0x5a: {  	_ = 	snop  }
0x5b: {  	[tilespmem:s0], [sflag:$0x2] =	stream.indirect_vreg.gather [hbm4b:s5+s3], $0x80, v3, vm0, $0xb8;
	[tilespmem:$0x18400] =	vst v63  }
0x5c: {  	_ = 	snop  }
0x5d: {  	[tilespmem:s11], [sflag:$0x2] =	stream.indirect_vreg.gather [hbm4b:s6+s3], $0x80, v3, vm0, $0xb8;
	[tilespmem:$0x18400] =	vst v63  }
0x5e: {  	_ = 	snop  }
0x5f: {  	[tilespmem:s12], [sflag:$0x2] =	stream.indirect_vreg.gather [hbm4b:s7+s3], $0x80, v3, vm0, $0xb8;
	[tilespmem:$0x18400] =	vst v63  }
0x60: {  	v3 =	vld [tilespmem:$0x30];
	_ =	sdelay $0x4  }
0x61: {  	v63 =	vshll.u32 v3, $0x3  }
0x62: {  	v3 =	vand.u32 $0x7, v3;
	v4 =	vand.u32 $0xFFFFFFC0, v63  }
0x63: {  	v3 =	vor.u32 v3, v4  }
0x64: {  	v4 =	vperm.xlane v3, v0;
	_ =	sdelay $0x1  }
0x65: {  	v4 =	vadd.s32 v1, v4;
	_ =	sdelay $0x4  }
0x66: {  	[tilespmem:s13], [sflag:$0x2] =	stream.indirect_vreg.gather [hbm4b:s1+s3], $0x80, v4, vm0, $0xb8;
	[tilespmem:$0x18400] =	vst v63  }
0x67: {  	v3 =	vperm.xlane v3, v2  }
0x68: {  	[tilespmem:s14], [sflag:$0x2] =	stream.indirect_vreg.gather [hbm4b:s5+s3], $0x80, v4, vm0, $0xb8;
	[tilespmem:$0x18400] =	vst v63  }
0x69: {  	v3 =	vadd.s32 v1, v3  }
0x6a: {  	[tilespmem:s15], [sflag:$0x2] =	stream.indirect_vreg.gather [hbm4b:s6+s3], $0x80, v4, vm0, $0xb8;
	[tilespmem:$0x18400] =	vst v63  }
0x6b: {  	_ = 	snop  }
0x6c: {  	[tilespmem:s16], [sflag:$0x2] =	stream.indirect_vreg.gather [hbm4b:s7+s3], $0x80, v4, vm0, $0xb8;
	[tilespmem:$0x18400] =	vst v63  }
0x6d: {  	_ = 	snop  }
0x6e: {  	[tilespmem:s17], [sflag:$0x2] =	stream.indirect_vreg.gather [hbm4b:s1+s3], $0x80, v3, vm0, $0xb8;
	[tilespmem:$0x18400] =	vst v63  }
0x6f: {  	_ = 	snop  }
0x70: {  	[tilespmem:s18], [sflag:$0x2] =	stream.indirect_vreg.gather [hbm4b:s5+s3], $0x80, v3, vm0, $0xb8;
	[tilespmem:$0x18400] =	vst v63  }
.Ltmp2:
0x71: {  	_ = 	snop;
	(pc) =	sbr.rel .LBB2_2-.Ltmp2, $4  }
0x72: {  	_ = 	snop  }
0x73: {  	[tilespmem:s19], [sflag:$0x2] =	stream.indirect_vreg.gather [hbm4b:s6+s3], $0x80, v3, vm0, $0xb8;
	[tilespmem:$0x18400] =	vst v63  }
0x74: {  	s28 =	simm.s32 $0x0;
	s9 =	smov.u32 s26;
	s25 =	simm.s32 $0x50  }
0x75: {  	[tilespmem:s20], [sflag:$0x2] =	stream.indirect_vreg.gather [hbm4b:s7+s3], $0x80, v3, vm0, $0xb8;
	[tilespmem:$0x18400] =	vst v63  }
.LBB2_4:
0x76: {  	s29 =	smul.u32 $0xAB, s28;
	_ =	sdelay $0x1  }
0x77: {  	s29 =	sshrl.u32 s29, $0x9  }
0x78: {  	s29 =	sand.u32 $0x7F, s29  }
0x79: {  	s29 =	smul.u32 $0x3, s29;
	_ =	sdelay $0x1  }
0x7a: {  	s29 =	ssub.s32 s28, s29  }
0x7b: {  	s28 =	sadd.s32 $0x1, s28;
	s29 =	sand.u32 $0xFF, s29  }
0x7c: {  	p0 =	sne.s32 s28, $0x20;
	s30 =	sadd.s32 $0x1, s29  }
.Ltmp3:
0x7d: {  	_ =	swait.ge [sflag:s30], $0x8000;
	(pc) =	sbr.rel @!p0 .LBB2_5-.Ltmp3, $4  }
0x7e: {  	s31 =	sshll.u32 s29, $0xF;
	[sflag:s30] =	ssyncset.done $0x0  }
0x7f: {  	s29 =	sor.u32 $0x4, s29;
	s31 =	sor.u32 $0x400, s31;
	[sflag:s30] =	ssyncadd.s32 $0xFFFF8000  }
0x80: {  	[hbm4b:s9+s3] =	stream.linear.scatter [tilespmem:s31], [sflag:s29], $0x8000, $0x38;
	[tilespmem:$0x18400] =	vst v63  }
0x81: {  	s25 =	sadd.s32 $0x20, s25;
	s9 =	sadd.s32 $0x1000, s9  }
.LBB2_2:
0x82: {  	p0 =	sgt.u32 s28, $0x1D  }
.Ltmp4:
0x83: {  	_ = 	snop;
	(pc) =	sbr.rel @p0 .LBB2_4-.Ltmp4, $1  }
0x84: {  	_ =	sdelay $0x3  }
0x85: {  	p0 =	seq.s32 s28, $0x0  }
0x86: {  	s29 =	sadd.s32 @!p0 $0xFFFFFFFF, s28  }
0x87: {  	s30 =	sand.u32 @!p0 $0xFF, s29  }
0x88: {  	s30 =	smul.u32 @!p0 $0xAB, s30;
	_ =	sdelay $0x1  }
0x89: {  	s30 =	sshrl.u32 @!p0 s30, $0x9  }
0x8a: {  	s30 =	smul.u32 @!p0 $0x3, s30;
	_ =	sdelay $0x1  }
0x8b: {  	s29 =	ssub.s32 @!p0 s29, s30  }
0x8c: {  	s29 =	sor.u32 @!p0 $0x4, s29  }
0x8d: {  	s29 =	sand.u32 @!p0 $0xFF, s29  }
0x8e: {  	_ =	swait.ge @!p0 [sflag:s29], $0x8000  }
0x8f: {  	[sflag:s29] =	ssyncset.done @!p0 $0x0  }
0x90: {  	[sflag:s29] =	ssyncadd.s32 @!p0 $0xFFFF8000  }
0x91: {  	v3 =	vld [tilespmem:s25+$0xFFFFFFF0];
	_ =	sdelay $0x3  }
0x92: {  	s29 =	sadd.s32 $0x2, s28  }
0x93: {  	s31 =	smul.u32 $0xAB, s29;
	v4 =	vshll.u32 v3, $0x3  }
0x94: {  	v3 =	vand.u32 $0x7, v3;
	v4 =	vand.u32 $0xFFFFFFC0, v4  }
0x95: {  	s30 =	sshrl.u32 s31, $0x9;
	v3 =	vor.u32 v3, v4  }
0x96: {  	s30 =	sand.u32 $0x7F, s30;
	v4 =	vperm.xlane v3, v0  }
0x97: {  	s30 =	smul.u32 $0x3, s30  }
0x98: {  	v4 =	vadd.s32 v1, v4  }
0x99: {  	s29 =	ssub.s32 s29, s30  }
0x9a: {  	s29 =	sand.u32 $0xFF, s29  }
0x9b: {  	s30 =	sshll.u32 s29, $0xF  }
0x9c: {  	s29 =	sadd.s32 $0x1, s29;
	s31 =	sor.u32 $0x400, s30  }
0x9d: {  	[tilespmem:s31], [sflag:s29] =	stream.indirect_vreg.gather [hbm4b:s1+s3], $0x80, v4, vm0, $0xb8;
	[tilespmem:$0x18400] =	vst v63  }
0x9e: {  	v3 =	vperm.xlane v3, v2;
	s31 =	sor.u32 $0xC00, s30  }
0x9f: {  	[tilespmem:s31], [sflag:s29] =	stream.indirect_vreg.gather [hbm4b:s5+s3], $0x80, v4, vm0, $0xb8;
	[tilespmem:$0x18400] =	vst v63  }
0xa0: {  	v3 =	vadd.s32 v1, v3;
	s31 =	sor.u32 $0x1400, s30  }
0xa1: {  	[tilespmem:s31], [sflag:s29] =	stream.indirect_vreg.gather [hbm4b:s6+s3], $0x80, v4, vm0, $0xb8;
	[tilespmem:$0x18400] =	vst v63  }
0xa2: {  	s31 =	sor.u32 $0x1C00, s30  }
0xa3: {  	[tilespmem:s31], [sflag:s29] =	stream.indirect_vreg.gather [hbm4b:s7+s3], $0x80, v4, vm0, $0xb8;
	[tilespmem:$0x18400] =	vst v63  }
0xa4: {  	s31 =	sor.u32 $0x2400, s30  }
0xa5: {  	[tilespmem:s31], [sflag:s29] =	stream.indirect_vreg.gather [hbm4b:s1+s3], $0x80, v3, vm0, $0xb8;
	[tilespmem:$0x18400] =	vst v63  }
0xa6: {  	s31 =	sor.u32 $0x2C00, s30  }
0xa7: {  	[tilespmem:s31], [sflag:s29] =	stream.indirect_vreg.gather [hbm4b:s5+s3], $0x80, v3, vm0, $0xb8;
	[tilespmem:$0x18400] =	vst v63  }
0xa8: {  	s31 =	sor.u32 $0x3400, s30  }
0xa9: {  	[tilespmem:s31], [sflag:s29] =	stream.indirect_vreg.gather [hbm4b:s6+s3], $0x80, v3, vm0, $0xb8;
	[tilespmem:$0x18400] =	vst v63  }
0xaa: {  	s31 =	sor.u32 $0x3C00, s30  }
0xab: {  	[tilespmem:s31], [sflag:s29] =	stream.indirect_vreg.gather [hbm4b:s7+s3], $0x80, v3, vm0, $0xb8;
	[tilespmem:$0x18400] =	vst v63  }
0xac: {  	v3 =	vld [tilespmem:s25+$0x0];
	_ =	sdelay $0x4  }
0xad: {  	v63 =	vshll.u32 v3, $0x3  }
0xae: {  	v3 =	vand.u32 $0x7, v3;
	v4 =	vand.u32 $0xFFFFFFC0, v63  }
0xaf: {  	v3 =	vor.u32 v3, v4  }
0xb0: {  	v4 =	vperm.xlane v3, v0;
	_ =	sdelay $0x1  }
0xb1: {  	v4 =	vadd.s32 v1, v4;
	_ =	sdelay $0x3  }
0xb2: {  	s31 =	sor.u32 $0x4400, s30  }
0xb3: {  	[tilespmem:s31], [sflag:s29] =	stream.indirect_vreg.gather [hbm4b:s1+s3], $0x80, v4, vm0, $0xb8;
	[tilespmem:$0x18400] =	vst v63  }
0xb4: {  	v3 =	vperm.xlane v3, v2;
	s31 =	sor.u32 $0x4C00, s30  }
0xb5: {  	[tilespmem:s31], [sflag:s29] =	stream.indirect_vreg.gather [hbm4b:s5+s3], $0x80, v4, vm0, $0xb8;
	[tilespmem:$0x18400] =	vst v63  }
0xb6: {  	v3 =	vadd.s32 v1, v3;
	s31 =	sor.u32 $0x5400, s30  }
0xb7: {  	[tilespmem:s31], [sflag:s29] =	stream.indirect_vreg.gather [hbm4b:s6+s3], $0x80, v4, vm0, $0xb8;
	[tilespmem:$0x18400] =	vst v63  }
0xb8: {  	s31 =	sor.u32 $0x5C00, s30  }
0xb9: {  	[tilespmem:s31], [sflag:s29] =	stream.indirect_vreg.gather [hbm4b:s7+s3], $0x80, v4, vm0, $0xb8;
	[tilespmem:$0x18400] =	vst v63  }
0xba: {  	s31 =	sor.u32 $0x6400, s30  }
0xbb: {  	[tilespmem:s31], [sflag:s29] =	stream.indirect_vreg.gather [hbm4b:s1+s3], $0x80, v3, vm0, $0xb8;
	[tilespmem:$0x18400] =	vst v63  }
0xbc: {  	s31 =	sor.u32 $0x6C00, s30  }
0xbd: {  	[tilespmem:s31], [sflag:s29] =	stream.indirect_vreg.gather [hbm4b:s5+s3], $0x80, v3, vm0, $0xb8;
	[tilespmem:$0x18400] =	vst v63  }
.Ltmp5:
0xbe: {  	_ = 	snop;
	(pc) =	sbr.rel .LBB2_4-.Ltmp5, $4  }
0xbf: {  	s31 =	sor.u32 $0x7400, s30  }
0xc0: {  	[tilespmem:s31], [sflag:s29] =	stream.indirect_vreg.gather [hbm4b:s6+s3], $0x80, v3, vm0, $0xb8;
	[tilespmem:$0x18400] =	vst v63  }
0xc1: {  	s30 =	sor.u32 $0x7C00, s30  }
0xc2: {  	[tilespmem:s30], [sflag:s29] =	stream.indirect_vreg.gather [hbm4b:s7+s3], $0x80, v3, vm0, $0xb8;
	[tilespmem:$0x18400] =	vst v63  }
.LBB2_6:
0xc3: {  	_ =	sfence.sel $0x180000  }
0xc4: {  	[bflag:$0x0] =	sbarrier.arrive $0xFFFF  }
0xc5: {  	_ =	strace $0x90000047  }
0xc6: {  	s0 =	stileid.u32;
	[bflag:$0x2] =	sbarrier.arrive $0xFFFF  }
0xc7: {  	p0 =	sne.s32 s0, $0x0;
	s0 =	rddreg [dreg:$0x3]  }
0xc8: {  	s0 =	sadd.s32 @!p0 $0x100000, s0  }
0xc9: {  	[sflag:s0] =	ssyncadd.tile.s32 @!p0 $0x1;
	_ =	shalt  }
.Lfunc_end2:
_tile_overlayer_lowered:
.L_overlay_start_2:
0xca: {  	(tag) =	ssettag $0x2  }
0xcb: {  	s0 =	rddreg [dreg:$0x0];
	s2 =	stileid.u32  }
0xcc: {  	s1 =	rddreg [dreg:$0x1];
	p0 =	sne.s32 s2, $0x0  }
0xcd: {  	s3 =	rddreg [dreg:$0x2];
	[bflag:$0x3] =	sbarrier.arrive $0xFFFF;
	s2 =	simm.s32 @!p0 $0x1C07  }
0xce: {  	[timem:s3], [sflag:s2] =	dma.local @!p0 [hbm:s0], s1  }
0xcf: {  	s0 =	simm.s32 @!p0 $0x7  }
0xd0: {  	_ =	swait.ge @!p0 [sflag:s0], s1  }
0xd1: {  	s1 =	ssub.s32 @!p0 $0x0, s1;
	[sflag:s0] =	ssyncset.done @!p0 $0x0  }
0xd2: {  	[sflag:s0] =	ssyncadd.s32 @!p0 s1  }
0xd3: {  	[bflag:$0x3] =	sbarrier.arrive $0xFFFF  }
0xd4: {  	_ =	shalt  }

</sc_bundles>
